<compile_context>
chip_gen: v7x
topology: tpu7x:2x2x1
jax: 0.10.2.dev20260603
libtpu: 0.0.44.dev20260713+nightly
codegen_flags: <defaults>
</compile_context>

<pallas_src>
import functools

import jax
import jax.numpy as jnp
from jax import lax
from jax.experimental import pallas as pl
from jax.experimental.pallas import tpu as pltpu
from jax.experimental.pallas import tpu_sc as plsc

B = 16384
EMB = 64
NC = 2
NS = 16
NW = NC * NS
BPW = B // NW
L = 16
PROWS = B // 8


def _load_ids(id_hbm, id_v, base, sem):
    pltpu.async_copy(id_hbm.at[pl.ds(base, BPW)], id_v.at[pl.ds(0, BPW)], sem).wait()


def _gather_rows(tab_hbm, id_s, rows_v, sem, drain_hbm, drain_v):

    @pl.loop(0, BPW)
    def _(r):
        idx = id_s[pl.ds(r, L)][0]
        pltpu.make_async_copy(
            tab_hbm.at[pl.ds(idx, 1)], rows_v.at[pl.ds(r, 1)], sem
        ).start()

    pltpu.make_async_copy(
        drain_hbm.at[pl.ds(0, BPW * EMB)], drain_v, sem
    ).wait()


def _sc_gather_cen(cen, cid):
    mesh = plsc.VectorSubcoreMesh(core_axis_name="c", subcore_axis_name="s")

    @functools.partial(
        pl.kernel,
        mesh=mesh,
        out_type=jax.ShapeDtypeStruct((B * EMB,), jnp.float32),
        scratch_types=[
            pltpu.VMEM((BPW + L,), jnp.int32),
            pltpu.VMEM((BPW, EMB), jnp.float32),
            pltpu.VMEM((BPW * EMB,), jnp.float32),
            pltpu.SemaphoreType.DMA,
            pltpu.SemaphoreType.DMA,
        ],
    )
    def k(cen_hbm, cid_hbm, out_hbm, cid_v, rows_c, flat_v, sem_i, sem_c):
        wid = lax.axis_index("s") * NC + lax.axis_index("c")
        base = wid * BPW
        _load_ids(cid_hbm, cid_v, base, sem_i)
        _gather_rows(cen_hbm, cid_v, rows_c, sem_c, out_hbm, flat_v)

        @pl.loop(0, BPW)
        def _(r):
            for kk in range(EMB // L):
                flat_v[pl.ds(r * EMB + L * kk, L)] = rows_c[r, pl.ds(L * kk, L)]

        pltpu.sync_copy(flat_v, out_hbm.at[pl.ds(base * EMB, BPW * EMB)])

    return k(cen, cid)


def _sc_gather_ctx_dot(ctx, xid, cen_rows_flat):
    mesh = plsc.VectorSubcoreMesh(core_axis_name="c", subcore_axis_name="s")

    @functools.partial(
        pl.kernel,
        mesh=mesh,
        out_type=jax.ShapeDtypeStruct((B * L,), jnp.float32),
        scratch_types=[
            pltpu.VMEM((BPW + L,), jnp.int32),
            pltpu.VMEM((BPW, EMB), jnp.float32),
            pltpu.VMEM((BPW * EMB,), jnp.float32),
            pltpu.VMEM((BPW * L,), jnp.float32),
            pltpu.SemaphoreType.DMA,
            pltpu.SemaphoreType.DMA,
        ],
    )
    def k(ctx_hbm, xid_hbm, cen_flat_hbm, part_hbm,
          xid_v, rows_x, cen_flat_v, part_v, sem_i, sem_x):
        wid = lax.axis_index("s") * NC + lax.axis_index("c")
        base = wid * BPW
        _load_ids(xid_hbm, xid_v, base, sem_i)
        cf = pltpu.async_copy(
            cen_flat_hbm.at[pl.ds(base * EMB, BPW * EMB)], cen_flat_v, sem_i
        )
        cf.wait()
        _gather_rows(ctx_hbm, xid_v, rows_x, sem_x, cen_flat_hbm, cen_flat_v)

        @pl.loop(0, BPW)
        def _(r):
            acc = cen_flat_v[pl.ds(r * EMB, L)] * rows_x[r, pl.ds(0, L)]
            for kk in range(1, EMB // L):
                acc += (cen_flat_v[pl.ds(r * EMB + L * kk, L)]
                        * rows_x[r, pl.ds(L * kk, L)])
            part_v[pl.ds(r * L, L)] = acc

        pltpu.sync_copy(part_v, part_hbm.at[pl.ds(base * L, BPW * L)])

    return k(ctx, xid, cen_rows_flat)


def _tc_loss_body(p_ref, y_ref, o_ref):
    p = p_ref[...]
    s = jnp.sum(p.reshape(PROWS, 8, L), axis=2)
    y = y_ref[...]
    t = jnp.maximum(s, 0.0) - s * y + jnp.log1p(jnp.exp(-jnp.abs(s)))
    o_ref[...] = jnp.sum(t).reshape(1, 1) * (1.0 / B)


def _tc_loss(partials, labels2d):
    return pl.pallas_call(
        _tc_loss_body,
        out_shape=jax.ShapeDtypeStruct((1, 1), jnp.float32),
    )(partials, labels2d)


def kernel(batchContextId_int, batchCenterId_int, batchLabel_int, center_emb, context_emb):
    cid = batchCenterId_int.astype(jnp.int32)
    xid = batchContextId_int.astype(jnp.int32)
    cen_rows_flat = _sc_gather_cen(center_emb, cid)
    partials = _sc_gather_ctx_dot(context_emb, xid, cen_rows_flat).reshape(PROWS, 128)
    labels2d = batchLabel_int.astype(jnp.float32).reshape(PROWS, 8)
    loss = _tc_loss(partials, labels2d)
    return loss[0, 0]

# --- scband reference (transcript-rebuilt; emitter-appended) ---
"""Pipeline reference for scband-cbo-w-36550171689539 (READ-ONLY COPY).

The authoritative reference and input builder live on the scoring server;
editing this copy changes nothing except your own understanding.
"""

import jax, jax.numpy as jnp
import numpy as np

VOCAB = 1000000
EMB = 64
B = 16384

def setup_inputs(seed: int = 0) -> dict:
    key = jax.random.key(seed)
    k1, k2, k3, k4, k5 = jax.random.split(key, 5)
    batchContextId_int = jax.random.randint(k1, (B,), 0, VOCAB, dtype=jnp.int64) if jax.config.jax_enable_x64 else jax.random.randint(k1, (B,), 0, VOCAB).astype(jnp.int32)
    batchCenterId_int = jax.random.randint(k2, (B,), 0, VOCAB).astype(batchContextId_int.dtype)
    batchLabel_int = jax.random.uniform(k3, (B,), dtype=jnp.float32)
    center_emb = jax.random.normal(k4, (VOCAB, EMB), dtype=jnp.float32) * 0.02
    context_emb = jax.random.normal(k5, (VOCAB, EMB), dtype=jnp.float32) * 0.02
    return {
        'batchContextId_int': batchContextId_int,
        'batchCenterId_int': batchCenterId_int,
        'batchLabel_int': batchLabel_int,
        'center_emb': center_emb,
        'context_emb': context_emb,
    }

def _bce_with_logits(logits, targets):
    # mean over batch of: max(x,0) - x*y + log(1 + exp(-|x|))
    return jnp.mean(jnp.maximum(logits, 0.0) - logits * targets + jnp.log1p(jnp.exp(-jnp.abs(logits))))

def reference(batchContextId_int, batchCenterId_int, batchLabel_int, center_emb, context_emb):
    centerEmb = jnp.take(center_emb, batchCenterId_int, axis=0)
    contextEmb = jnp.take(context_emb, batchContextId_int, axis=0)
    similarities = jnp.sum(centerEmb * contextEmb, axis=1)
    loss = _bce_with_logits(similarities, batchLabel_int)
    return loss

if __name__ == "__main__":
    import jax
    _d = setup_inputs()
    print(jax.jit(kernel)(*tuple(_d.values())))

</pallas_src>

<mosaic_0001>
#map = affine_map<(d0, d1) -> (0, 0)>
#map1 = affine_map<(d0, d1) -> (0)>
module attributes {stable_mosaic.version = 14 : i64} {
  func.func @k(%arg0: i32, %arg1: i32, %arg2: memref<1000000x64xf32, #tpu.memory_space<hbm>>, %arg3: memref<16384xi32, #tpu.memory_space<hbm>>, %arg4: memref<1048576xf32, #tpu.memory_space<hbm>>, %arg5: memref<528xi32, #tpu.memory_space<vmem>>, %arg6: memref<512x64xf32, #tpu.memory_space<vmem>>, %arg7: memref<32768xf32, #tpu.memory_space<vmem>>, %arg8: memref<!tpu.dma_semaphore, #tpu.memory_space<semaphore_mem>>, %arg9: memref<!tpu.dma_semaphore, #tpu.memory_space<semaphore_mem>>) attributes {dimension_semantics = [#tpu.dimension_semantics<core_parallel>, #tpu.dimension_semantics<subcore_parallel>], iteration_bounds = array<i64: 2, 16>, scalar_prefetch = 0 : i64, scratch_operands = 5 : i64, tpu.core_type = #tpu.core_type<sc_vector_subcore>, window_params = [{transform_indices = #map}, {transform_indices = #map1}, {transform_indices = #map1}]} {
    %mul3A = arith.constant 2 : i32
    %mul3A_0 = arith.muli %arg1, %mul3A : i32
    %add3A = arith.addi %mul3A_0, %arg0 : i32
    %mul3A_1 = arith.constant 512 : i32
    %mul3A_2 = arith.muli %add3A, %mul3A_1 : i32
    %dma_start3A = arith.constant 0 : i32
    %dma_start3A_3 = tpu.memref_slice %arg5[%dma_start3A] : memref<528xi32, #tpu.memory_space<vmem>> -> memref<512xi32, #tpu.memory_space<vmem>>
    %dma_start3A_4 = tpu.memref_slice %arg3[%mul3A_2] : memref<16384xi32, #tpu.memory_space<hbm>> -> memref<512xi32, #tpu.memory_space<hbm>>
    %dma_start3A_5 = arith.constant 0 : i32
    %dma_start3A_6 = tpu.memref_slice %arg5[%dma_start3A_5] : memref<528xi32, #tpu.memory_space<vmem>> -> memref<512xi32, #tpu.memory_space<vmem>>
    %dma_start3A_7 = tpu.memref_slice %arg3[%mul3A_2] : memref<16384xi32, #tpu.memory_space<hbm>> -> memref<512xi32, #tpu.memory_space<hbm>>
    tpu.enqueue_dma source(%dma_start3A_7 : memref<512xi32, #tpu.memory_space<hbm>>) target(%dma_start3A_6 : memref<512xi32, #tpu.memory_space<vmem>>) target_semaphore(%arg8 : memref<!tpu.dma_semaphore, #tpu.memory_space<semaphore_mem>>)
    %dma_wait3A = arith.constant 0 : i32
    %dma_wait3A_8 = tpu.memref_slice %arg5[%dma_wait3A] : memref<528xi32, #tpu.memory_space<vmem>> -> memref<512xi32, #tpu.memory_space<vmem>>
    %dma_wait3A_9 = tpu.memref_slice %arg3[%mul3A_2] : memref<16384xi32, #tpu.memory_space<hbm>> -> memref<512xi32, #tpu.memory_space<hbm>>
    %dma_wait3A_10 = arith.constant 0 : i32
    %dma_wait3A_11 = tpu.memref_slice %arg5[%dma_wait3A_10] : memref<528xi32, #tpu.memory_space<vmem>> -> memref<512xi32, #tpu.memory_space<vmem>>
    %dma_wait3A_12 = tpu.memref_slice %arg3[%mul3A_2] : memref<16384xi32, #tpu.memory_space<hbm>> -> memref<512xi32, #tpu.memory_space<hbm>>
    tpu.wait_dma2 semaphore(%arg8 : memref<!tpu.dma_semaphore, #tpu.memory_space<semaphore_mem>>) src(%dma_wait3A_12 : memref<512xi32, #tpu.memory_space<hbm>>) dst(%dma_wait3A_11 : memref<512xi32, #tpu.memory_space<vmem>>)
    %scan3A = arith.constant 0 : i32
    %scan3A_13 = arith.constant 512 : i32
    %scan3A_14 = arith.addi %scan3A, %scan3A_13 : i32
    %scan3A_15 = arith.constant 1 : i32
    scf.for %scan3A_28 = %scan3A to %scan3A_14 step %scan3A_15  : i32 {
      %mul3A_29 = arith.constant 1 : i32
      %mul3A_30 = arith.muli %scan3A_28, %mul3A_29 : i32
      %add3A_31 = arith.constant 0 : i32
      %add3A_32 = arith.addi %add3A_31, %mul3A_30 : i32
      %get3A = arith.index_cast %add3A_32 : i32 to index
      %get3A_33 = tpu.vector_load %arg5[%get3A] {strides = array<i32>} : memref<528xi32, #tpu.memory_space<vmem>>, vector<16xi32>,
      %get3A_34 = vector.shape_cast %get3A_33 : vector<16xi32> to vector<16xi32>
      %slice3A = vector.extract_strided_slice %get3A_34 {offsets = [0], sizes = [1], strides = [1]} : vector<16xi32> to vector<1xi32>
      %squeeze3A = vector.extract %slice3A[0] : i32 from vector<1xi32>
      %dma_start3A_35 = arith.constant 0 : i32
      %dma_start3A_36 = tpu.memref_slice %arg6[%add3A_32, %dma_start3A_35] : memref<512x64xf32, #tpu.memory_space<vmem>> -> memref<1x64xf32, #tpu.memory_space<vmem>>
      %dma_start3A_37 = arith.constant 0 : i32
      %dma_start3A_38 = tpu.memref_slice %arg2[%squeeze3A, %dma_start3A_37] : memref<1000000x64xf32, #tpu.memory_space<hbm>> -> memref<1x64xf32, #tpu.memory_space<hbm>>
      %dma_start3A_39 = arith.constant 0 : i32
      %dma_start3A_40 = tpu.memref_slice %arg6[%add3A_32, %dma_start3A_39] : memref<512x64xf32, #tpu.memory_space<vmem>> -> memref<1x64xf32, #tpu.memory_space<vmem>>
      %dma_start3A_41 = arith.constant 0 : i32
      %dma_start3A_42 = tpu.memref_slice %arg2[%squeeze3A, %dma_start3A_41] : memref<1000000x64xf32, #tpu.memory_space<hbm>> -> memref<1x64xf32, #tpu.memory_space<hbm>>
      tpu.enqueue_dma source(%dma_start3A_42 : memref<1x64xf32, #tpu.memory_space<hbm>>) target(%dma_start3A_40 : memref<1x64xf32, #tpu.memory_space<vmem>>) target_semaphore(%arg9 : memref<!tpu.dma_semaphore, #tpu.memory_space<semaphore_mem>>)
    }
    %scan3A_16 = arith.constant 512 : i32
    %dma_wait3A_17 = arith.constant 0 : i32
    %dma_wait3A_18 = tpu.memref_slice %arg4[%dma_wait3A_17] : memref<1048576xf32, #tpu.memory_space<hbm>> -> memref<32768xf32, #tpu.memory_space<hbm>>
    %dma_wait3A_19 = arith.constant 0 : i32
    %dma_wait3A_20 = tpu.memref_slice %arg4[%dma_wait3A_19] : memref<1048576xf32, #tpu.memory_space<hbm>> -> memref<32768xf32, #tpu.memory_space<hbm>>
    tpu.wait_dma2 semaphore(%arg9 : memref<!tpu.dma_semaphore, #tpu.memory_space<semaphore_mem>>) src(%dma_wait3A_20 : memref<32768xf32, #tpu.memory_space<hbm>>) dst(%arg7 : memref<32768xf32, #tpu.memory_space<vmem>>)
    %scan3A_21 = arith.constant 0 : i32
    %scan3A_22 = arith.constant 512 : i32
    %scan3A_23 = arith.addi %scan3A_21, %scan3A_22 : i32
    %scan3A_24 = arith.constant 1 : i32
    scf.for %scan3A_28 = %scan3A_21 to %scan3A_23 step %scan3A_24  : i32 {
      %mul3A_29 = arith.constant 1 : i32
      %mul3A_30 = arith.muli %scan3A_28, %mul3A_29 : i32
      %add3A_31 = arith.constant 0 : i32
      %add3A_32 = arith.addi %add3A_31, %mul3A_30 : i32
      %get3A = arith.index_cast %add3A_32 : i32 to index
      %get3A_33 = arith.constant 0 : index
      %get3A_34 = tpu.vector_load %arg6[%get3A, %get3A_33] {strides = array<i32>} : memref<512x64xf32, #tpu.memory_space<vmem>>, vector<1x16xf32>,
      %get3A_35 = vector.shape_cast %get3A_34 : vector<1x16xf32> to vector<16xf32>
      %mul3A_36 = arith.constant 64 : i32
      %mul3A_37 = arith.muli %add3A_32, %mul3A_36 : i32
      %add3A_38 = arith.constant 0 : i32
      %add3A_39 = arith.addi %mul3A_37, %add3A_38 : i32
      %swap3A = arith.index_cast %add3A_39 : i32 to index
      %swap3A_40 = tpu.vector_load %arg7[%swap3A] {strides = array<i32>} : memref<32768xf32, #tpu.memory_space<vmem>>, vector<16xf32>,
      %swap3A_41 = vector.shape_cast %swap3A_40 : vector<16xf32> to vector<16xf32>
      %swap3A_42 = vector.shape_cast %get3A_35 : vector<16xf32> to vector<16xf32>
      tpu.vector_store %arg7[%swap3A], %swap3A_42 {strides = array<i32>} : memref<32768xf32, #tpu.memory_space<vmem>>, vector<16xf32>,
      %get3A_43 = arith.index_cast %add3A_32 : i32 to index
      %get3A_44 = arith.constant 16 : index
      %get3A_45 = tpu.vector_load %arg6[%get3A_43, %get3A_44] {strides = array<i32>} : memref<512x64xf32, #tpu.memory_space<vmem>>, vector<1x16xf32>,
      %get3A_46 = vector.shape_cast %get3A_45 : vector<1x16xf32> to vector<16xf32>
      %mul3A_47 = arith.constant 64 : i32
      %mul3A_48 = arith.muli %add3A_32, %mul3A_47 : i32
      %add3A_49 = arith.constant 16 : i32
      %add3A_50 = arith.addi %mul3A_48, %add3A_49 : i32
      %swap3A_51 = arith.index_cast %add3A_50 : i32 to index
      %swap3A_52 = tpu.vector_load %arg7[%swap3A_51] {strides = array<i32>} : memref<32768xf32, #tpu.memory_space<vmem>>, vector<16xf32>,
      %swap3A_53 = vector.shape_cast %swap3A_52 : vector<16xf32> to vector<16xf32>
      %swap3A_54 = vector.shape_cast %get3A_46 : vector<16xf32> to vector<16xf32>
      tpu.vector_store %arg7[%swap3A_51], %swap3A_54 {strides = array<i32>} : memref<32768xf32, #tpu.memory_space<vmem>>, vector<16xf32>,
      %get3A_55 = arith.index_cast %add3A_32 : i32 to index
      %get3A_56 = arith.constant 32 : index
      %get3A_57 = tpu.vector_load %arg6[%get3A_55, %get3A_56] {strides = array<i32>} : memref<512x64xf32, #tpu.memory_space<vmem>>, vector<1x16xf32>,
      %get3A_58 = vector.shape_cast %get3A_57 : vector<1x16xf32> to vector<16xf32>
      %mul3A_59 = arith.constant 64 : i32
      %mul3A_60 = arith.muli %add3A_32, %mul3A_59 : i32
      %add3A_61 = arith.constant 32 : i32
      %add3A_62 = arith.addi %mul3A_60, %add3A_61 : i32
      %swap3A_63 = arith.index_cast %add3A_62 : i32 to index
      %swap3A_64 = tpu.vector_load %arg7[%swap3A_63] {strides = array<i32>} : memref<32768xf32, #tpu.memory_space<vmem>>, vector<16xf32>,
      %swap3A_65 = vector.shape_cast %swap3A_64 : vector<16xf32> to vector<16xf32>
      %swap3A_66 = vector.shape_cast %get3A_58 : vector<16xf32> to vector<16xf32>
      tpu.vector_store %arg7[%swap3A_63], %swap3A_66 {strides = array<i32>} : memref<32768xf32, #tpu.memory_space<vmem>>, vector<16xf32>,
      %get3A_67 = arith.index_cast %add3A_32 : i32 to index
      %get3A_68 = arith.constant 48 : index
      %get3A_69 = tpu.vector_load %arg6[%get3A_67, %get3A_68] {strides = array<i32>} : memref<512x64xf32, #tpu.memory_space<vmem>>, vector<1x16xf32>,
      %get3A_70 = vector.shape_cast %get3A_69 : vector<1x16xf32> to vector<16xf32>
      %mul3A_71 = arith.constant 64 : i32
      %mul3A_72 = arith.muli %add3A_32, %mul3A_71 : i32
      %add3A_73 = arith.constant 48 : i32
      %add3A_74 = arith.addi %mul3A_72, %add3A_73 : i32
      %swap3A_75 = arith.index_cast %add3A_74 : i32 to index
      %swap3A_76 = tpu.vector_load %arg7[%swap3A_75] {strides = array<i32>} : memref<32768xf32, #tpu.memory_space<vmem>>, vector<16xf32>,
      %swap3A_77 = vector.shape_cast %swap3A_76 : vector<16xf32> to vector<16xf32>
      %swap3A_78 = vector.shape_cast %get3A_70 : vector<16xf32> to vector<16xf32>
      tpu.vector_store %arg7[%swap3A_75], %swap3A_78 {strides = array<i32>} : memref<32768xf32, #tpu.memory_space<vmem>>, vector<16xf32>,
    }
    %scan3A_25 = arith.constant 512 : i32
    %mul3A_26 = arith.constant 64 : i32
    %mul3A_27 = arith.muli %mul3A_2, %mul3A_26 : i32
    "tpu.region"() ({
      %run_scoped3A = tpu.sem_alloc : memref<!tpu.dma_semaphore, #tpu.memory_space<semaphore_mem>>
      %dma_start3A_28 = tpu.memref_slice %arg4[%mul3A_27] : memref<1048576xf32, #tpu.memory_space<hbm>> -> memref<32768xf32, #tpu.memory_space<hbm>>
      %dma_start3A_29 = tpu.memref_slice %arg4[%mul3A_27] : memref<1048576xf32, #tpu.memory_space<hbm>> -> memref<32768xf32, #tpu.memory_space<hbm>>
      tpu.enqueue_dma source(%arg7 : memref<32768xf32, #tpu.memory_space<vmem>>) target(%dma_start3A_29 : memref<32768xf32, #tpu.memory_space<hbm>>) target_semaphore(%run_scoped3A : memref<!tpu.dma_semaphore, #tpu.memory_space<semaphore_mem>>)
      %dma_wait3A_30 = tpu.memref_slice %arg4[%mul3A_27] : memref<1048576xf32, #tpu.memory_space<hbm>> -> memref<32768xf32, #tpu.memory_space<hbm>>
      %dma_wait3A_31 = tpu.memref_slice %arg4[%mul3A_27] : memref<1048576xf32, #tpu.memory_space<hbm>> -> memref<32768xf32, #tpu.memory_space<hbm>>
      tpu.wait_dma2 semaphore(%run_scoped3A : memref<!tpu.dma_semaphore, #tpu.memory_space<semaphore_mem>>) src(%arg7 : memref<32768xf32, #tpu.memory_space<vmem>>) dst(%dma_wait3A_31 : memref<32768xf32, #tpu.memory_space<hbm>>)
      tpu.yield
    }) : () -> ()
    return
  }
}

#map = affine_map<(d0, d1) -> (0, 0)>
#map1 = affine_map<(d0, d1) -> (0)>
module attributes {stable_mosaic.version = 14 : i64} {
  func.func @k(%arg0: i32, %arg1: i32, %arg2: memref<1000000x64xf32, #tpu.memory_space<hbm>>, %arg3: memref<16384xi32, #tpu.memory_space<hbm>>, %arg4: memref<1048576xf32, #tpu.memory_space<hbm>>, %arg5: memref<262144xf32, #tpu.memory_space<hbm>>, %arg6: memref<528xi32, #tpu.memory_space<vmem>>, %arg7: memref<512x64xf32, #tpu.memory_space<vmem>>, %arg8: memref<32768xf32, #tpu.memory_space<vmem>>, %arg9: memref<8192xf32, #tpu.memory_space<vmem>>, %arg10: memref<!tpu.dma_semaphore, #tpu.memory_space<semaphore_mem>>, %arg11: memref<!tpu.dma_semaphore, #tpu.memory_space<semaphore_mem>>) attributes {dimension_semantics = [#tpu.dimension_semantics<core_parallel>, #tpu.dimension_semantics<subcore_parallel>], iteration_bounds = array<i64: 2, 16>, scalar_prefetch = 0 : i64, scratch_operands = 6 : i64, tpu.core_type = #tpu.core_type<sc_vector_subcore>, window_params = [{transform_indices = #map}, {transform_indices = #map1}, {transform_indices = #map1}, {transform_indices = #map1}]} {
    %mul3A = arith.constant 2 : i32
    %mul3A_0 = arith.muli %arg1, %mul3A : i32
    %add3A = arith.addi %mul3A_0, %arg0 : i32
    %mul3A_1 = arith.constant 512 : i32
    %mul3A_2 = arith.muli %add3A, %mul3A_1 : i32
    %dma_start3A = arith.constant 0 : i32
    %dma_start3A_3 = tpu.memref_slice %arg6[%dma_start3A] : memref<528xi32, #tpu.memory_space<vmem>> -> memref<512xi32, #tpu.memory_space<vmem>>
    %dma_start3A_4 = tpu.memref_slice %arg3[%mul3A_2] : memref<16384xi32, #tpu.memory_space<hbm>> -> memref<512xi32, #tpu.memory_space<hbm>>
    %dma_start3A_5 = arith.constant 0 : i32
    %dma_start3A_6 = tpu.memref_slice %arg6[%dma_start3A_5] : memref<528xi32, #tpu.memory_space<vmem>> -> memref<512xi32, #tpu.memory_space<vmem>>
    %dma_start3A_7 = tpu.memref_slice %arg3[%mul3A_2] : memref<16384xi32, #tpu.memory_space<hbm>> -> memref<512xi32, #tpu.memory_space<hbm>>
    tpu.enqueue_dma source(%dma_start3A_7 : memref<512xi32, #tpu.memory_space<hbm>>) target(%dma_start3A_6 : memref<512xi32, #tpu.memory_space<vmem>>) target_semaphore(%arg10 : memref<!tpu.dma_semaphore, #tpu.memory_space<semaphore_mem>>)
    %dma_wait3A = arith.constant 0 : i32
    %dma_wait3A_8 = tpu.memref_slice %arg6[%dma_wait3A] : memref<528xi32, #tpu.memory_space<vmem>> -> memref<512xi32, #tpu.memory_space<vmem>>
    %dma_wait3A_9 = tpu.memref_slice %arg3[%mul3A_2] : memref<16384xi32, #tpu.memory_space<hbm>> -> memref<512xi32, #tpu.memory_space<hbm>>
    %dma_wait3A_10 = arith.constant 0 : i32
    %dma_wait3A_11 = tpu.memref_slice %arg6[%dma_wait3A_10] : memref<528xi32, #tpu.memory_space<vmem>> -> memref<512xi32, #tpu.memory_space<vmem>>
    %dma_wait3A_12 = tpu.memref_slice %arg3[%mul3A_2] : memref<16384xi32, #tpu.memory_space<hbm>> -> memref<512xi32, #tpu.memory_space<hbm>>
    tpu.wait_dma2 semaphore(%arg10 : memref<!tpu.dma_semaphore, #tpu.memory_space<semaphore_mem>>) src(%dma_wait3A_12 : memref<512xi32, #tpu.memory_space<hbm>>) dst(%dma_wait3A_11 : memref<512xi32, #tpu.memory_space<vmem>>)
    %mul3A_13 = arith.constant 64 : i32
    %mul3A_14 = arith.muli %mul3A_2, %mul3A_13 : i32
    %dma_start3A_15 = tpu.memref_slice %arg4[%mul3A_14] : memref<1048576xf32, #tpu.memory_space<hbm>> -> memref<32768xf32, #tpu.memory_space<hbm>>
    %dma_start3A_16 = tpu.memref_slice %arg4[%mul3A_14] : memref<1048576xf32, #tpu.memory_space<hbm>> -> memref<32768xf32, #tpu.memory_space<hbm>>
    tpu.enqueue_dma source(%dma_start3A_16 : memref<32768xf32, #tpu.memory_space<hbm>>) target(%arg8 : memref<32768xf32, #tpu.memory_space<vmem>>) target_semaphore(%arg10 : memref<!tpu.dma_semaphore, #tpu.memory_space<semaphore_mem>>)
    %dma_wait3A_17 = tpu.memref_slice %arg4[%mul3A_14] : memref<1048576xf32, #tpu.memory_space<hbm>> -> memref<32768xf32, #tpu.memory_space<hbm>>
    %dma_wait3A_18 = tpu.memref_slice %arg4[%mul3A_14] : memref<1048576xf32, #tpu.memory_space<hbm>> -> memref<32768xf32, #tpu.memory_space<hbm>>
    tpu.wait_dma2 semaphore(%arg10 : memref<!tpu.dma_semaphore, #tpu.memory_space<semaphore_mem>>) src(%dma_wait3A_18 : memref<32768xf32, #tpu.memory_space<hbm>>) dst(%arg8 : memref<32768xf32, #tpu.memory_space<vmem>>)
    %scan3A = arith.constant 0 : i32
    %scan3A_19 = arith.constant 512 : i32
    %scan3A_20 = arith.addi %scan3A, %scan3A_19 : i32
    %scan3A_21 = arith.constant 1 : i32
    scf.for %scan3A_34 = %scan3A to %scan3A_20 step %scan3A_21  : i32 {
      %mul3A_35 = arith.constant 1 : i32
      %mul3A_36 = arith.muli %scan3A_34, %mul3A_35 : i32
      %add3A_37 = arith.constant 0 : i32
      %add3A_38 = arith.addi %add3A_37, %mul3A_36 : i32
      %get3A = arith.index_cast %add3A_38 : i32 to index
      %get3A_39 = tpu.vector_load %arg6[%get3A] {strides = array<i32>} : memref<528xi32, #tpu.memory_space<vmem>>, vector<16xi32>,
      %get3A_40 = vector.shape_cast %get3A_39 : vector<16xi32> to vector<16xi32>
      %slice3A = vector.extract_strided_slice %get3A_40 {offsets = [0], sizes = [1], strides = [1]} : vector<16xi32> to vector<1xi32>
      %squeeze3A = vector.extract %slice3A[0] : i32 from vector<1xi32>
      %dma_start3A_41 = arith.constant 0 : i32
      %dma_start3A_42 = tpu.memref_slice %arg7[%add3A_38, %dma_start3A_41] : memref<512x64xf32, #tpu.memory_space<vmem>> -> memref<1x64xf32, #tpu.memory_space<vmem>>
      %dma_start3A_43 = arith.constant 0 : i32
      %dma_start3A_44 = tpu.memref_slice %arg2[%squeeze3A, %dma_start3A_43] : memref<1000000x64xf32, #tpu.memory_space<hbm>> -> memref<1x64xf32, #tpu.memory_space<hbm>>
      %dma_start3A_45 = arith.constant 0 : i32
      %dma_start3A_46 = tpu.memref_slice %arg7[%add3A_38, %dma_start3A_45] : memref<512x64xf32, #tpu.memory_space<vmem>> -> memref<1x64xf32, #tpu.memory_space<vmem>>
      %dma_start3A_47 = arith.constant 0 : i32
      %dma_start3A_48 = tpu.memref_slice %arg2[%squeeze3A, %dma_start3A_47] : memref<1000000x64xf32, #tpu.memory_space<hbm>> -> memref<1x64xf32, #tpu.memory_space<hbm>>
      tpu.enqueue_dma source(%dma_start3A_48 : memref<1x64xf32, #tpu.memory_space<hbm>>) target(%dma_start3A_46 : memref<1x64xf32, #tpu.memory_space<vmem>>) target_semaphore(%arg11 : memref<!tpu.dma_semaphore, #tpu.memory_space<semaphore_mem>>)
    }
    %scan3A_22 = arith.constant 512 : i32
    %dma_wait3A_23 = arith.constant 0 : i32
    %dma_wait3A_24 = tpu.memref_slice %arg4[%dma_wait3A_23] : memref<1048576xf32, #tpu.memory_space<hbm>> -> memref<32768xf32, #tpu.memory_space<hbm>>
    %dma_wait3A_25 = arith.constant 0 : i32
    %dma_wait3A_26 = tpu.memref_slice %arg4[%dma_wait3A_25] : memref<1048576xf32, #tpu.memory_space<hbm>> -> memref<32768xf32, #tpu.memory_space<hbm>>
    tpu.wait_dma2 semaphore(%arg11 : memref<!tpu.dma_semaphore, #tpu.memory_space<semaphore_mem>>) src(%dma_wait3A_26 : memref<32768xf32, #tpu.memory_space<hbm>>) dst(%arg8 : memref<32768xf32, #tpu.memory_space<vmem>>)
    %scan3A_27 = arith.constant 0 : i32
    %scan3A_28 = arith.constant 512 : i32
    %scan3A_29 = arith.addi %scan3A_27, %scan3A_28 : i32
    %scan3A_30 = arith.constant 1 : i32
    scf.for %scan3A_34 = %scan3A_27 to %scan3A_29 step %scan3A_30  : i32 {
      %mul3A_35 = arith.constant 1 : i32
      %mul3A_36 = arith.muli %scan3A_34, %mul3A_35 : i32
      %add3A_37 = arith.constant 0 : i32
      %add3A_38 = arith.addi %add3A_37, %mul3A_36 : i32
      %mul3A_39 = arith.constant 64 : i32
      %mul3A_40 = arith.muli %add3A_38, %mul3A_39 : i32
      %get3A = arith.index_cast %mul3A_40 : i32 to index
      %get3A_41 = tpu.vector_load %arg8[%get3A] {strides = array<i32>} : memref<32768xf32, #tpu.memory_space<vmem>>, vector<16xf32>,
      %get3A_42 = vector.shape_cast %get3A_41 : vector<16xf32> to vector<16xf32>
      %get3A_43 = arith.index_cast %add3A_38 : i32 to index
      %get3A_44 = arith.constant 0 : index
      %get3A_45 = tpu.vector_load %arg7[%get3A_43, %get3A_44] {strides = array<i32>} : memref<512x64xf32, #tpu.memory_space<vmem>>, vector<1x16xf32>,
      %get3A_46 = vector.shape_cast %get3A_45 : vector<1x16xf32> to vector<16xf32>
      %mul3A_47 = arith.mulf %get3A_42, %get3A_46 : vector<16xf32>
      %mul3A_48 = arith.constant 64 : i32
      %mul3A_49 = arith.muli %add3A_38, %mul3A_48 : i32
      %add3A_50 = arith.constant 16 : i32
      %add3A_51 = arith.addi %mul3A_49, %add3A_50 : i32
      %get3A_52 = arith.index_cast %add3A_51 : i32 to index
      %get3A_53 = tpu.vector_load %arg8[%get3A_52] {strides = array<i32>} : memref<32768xf32, #tpu.memory_space<vmem>>, vector<16xf32>,
      %get3A_54 = vector.shape_cast %get3A_53 : vector<16xf32> to vector<16xf32>
      %get3A_55 = arith.index_cast %add3A_38 : i32 to index
      %get3A_56 = arith.constant 16 : index
      %get3A_57 = tpu.vector_load %arg7[%get3A_55, %get3A_56] {strides = array<i32>} : memref<512x64xf32, #tpu.memory_space<vmem>>, vector<1x16xf32>,
      %get3A_58 = vector.shape_cast %get3A_57 : vector<1x16xf32> to vector<16xf32>
      %mul3A_59 = arith.mulf %get3A_54, %get3A_58 : vector<16xf32>
      %add3A_60 = arith.addf %mul3A_47, %mul3A_59 : vector<16xf32>
      %mul3A_61 = arith.constant 64 : i32
      %mul3A_62 = arith.muli %add3A_38, %mul3A_61 : i32
      %add3A_63 = arith.constant 32 : i32
      %add3A_64 = arith.addi %mul3A_62, %add3A_63 : i32
      %get3A_65 = arith.index_cast %add3A_64 : i32 to index
      %get3A_66 = tpu.vector_load %arg8[%get3A_65] {strides = array<i32>} : memref<32768xf32, #tpu.memory_space<vmem>>, vector<16xf32>,
      %get3A_67 = vector.shape_cast %get3A_66 : vector<16xf32> to vector<16xf32>
      %get3A_68 = arith.index_cast %add3A_38 : i32 to index
      %get3A_69 = arith.constant 32 : index
      %get3A_70 = tpu.vector_load %arg7[%get3A_68, %get3A_69] {strides = array<i32>} : memref<512x64xf32, #tpu.memory_space<vmem>>, vector<1x16xf32>,
      %get3A_71 = vector.shape_cast %get3A_70 : vector<1x16xf32> to vector<16xf32>
      %mul3A_72 = arith.mulf %get3A_67, %get3A_71 : vector<16xf32>
      %add3A_73 = arith.addf %add3A_60, %mul3A_72 : vector<16xf32>
      %mul3A_74 = arith.constant 64 : i32
      %mul3A_75 = arith.muli %add3A_38, %mul3A_74 : i32
      %add3A_76 = arith.constant 48 : i32
      %add3A_77 = arith.addi %mul3A_75, %add3A_76 : i32
      %get3A_78 = arith.index_cast %add3A_77 : i32 to index
      %get3A_79 = tpu.vector_load %arg8[%get3A_78] {strides = array<i32>} : memref<32768xf32, #tpu.memory_space<vmem>>, vector<16xf32>,
      %get3A_80 = vector.shape_cast %get3A_79 : vector<16xf32> to vector<16xf32>
      %get3A_81 = arith.index_cast %add3A_38 : i32 to index
      %get3A_82 = arith.constant 48 : index
      %get3A_83 = tpu.vector_load %arg7[%get3A_81, %get3A_82] {strides = array<i32>} : memref<512x64xf32, #tpu.memory_space<vmem>>, vector<1x16xf32>,
      %get3A_84 = vector.shape_cast %get3A_83 : vector<1x16xf32> to vector<16xf32>
      %mul3A_85 = arith.mulf %get3A_80, %get3A_84 : vector<16xf32>
      %add3A_86 = arith.addf %add3A_73, %mul3A_85 : vector<16xf32>
      %mul3A_87 = arith.constant 16 : i32
      %mul3A_88 = arith.muli %add3A_38, %mul3A_87 : i32
      %swap3A = arith.index_cast %mul3A_88 : i32 to index
      %swap3A_89 = tpu.vector_load %arg9[%swap3A] {strides = array<i32>} : memref<8192xf32, #tpu.memory_space<vmem>>, vector<16xf32>,
      %swap3A_90 = vector.shape_cast %swap3A_89 : vector<16xf32> to vector<16xf32>
      %swap3A_91 = vector.shape_cast %add3A_86 : vector<16xf32> to vector<16xf32>
      tpu.vector_store %arg9[%swap3A], %swap3A_91 {strides = array<i32>} : memref<8192xf32, #tpu.memory_space<vmem>>, vector<16xf32>,
    }
    %scan3A_31 = arith.constant 512 : i32
    %mul3A_32 = arith.constant 16 : i32
    %mul3A_33 = arith.muli %mul3A_2, %mul3A_32 : i32
    "tpu.region"() ({
      %run_scoped3A = tpu.sem_alloc : memref<!tpu.dma_semaphore, #tpu.memory_space<semaphore_mem>>
      %dma_start3A_34 = tpu.memref_slice %arg5[%mul3A_33] : memref<262144xf32, #tpu.memory_space<hbm>> -> memref<8192xf32, #tpu.memory_space<hbm>>
      %dma_start3A_35 = tpu.memref_slice %arg5[%mul3A_33] : memref<262144xf32, #tpu.memory_space<hbm>> -> memref<8192xf32, #tpu.memory_space<hbm>>
      tpu.enqueue_dma source(%arg9 : memref<8192xf32, #tpu.memory_space<vmem>>) target(%dma_start3A_35 : memref<8192xf32, #tpu.memory_space<hbm>>) target_semaphore(%run_scoped3A : memref<!tpu.dma_semaphore, #tpu.memory_space<semaphore_mem>>)
      %dma_wait3A_36 = tpu.memref_slice %arg5[%mul3A_33] : memref<262144xf32, #tpu.memory_space<hbm>> -> memref<8192xf32, #tpu.memory_space<hbm>>
      %dma_wait3A_37 = tpu.memref_slice %arg5[%mul3A_33] : memref<262144xf32, #tpu.memory_space<hbm>> -> memref<8192xf32, #tpu.memory_space<hbm>>
      tpu.wait_dma2 semaphore(%run_scoped3A : memref<!tpu.dma_semaphore, #tpu.memory_space<semaphore_mem>>) src(%arg9 : memref<8192xf32, #tpu.memory_space<vmem>>) dst(%dma_wait3A_37 : memref<8192xf32, #tpu.memory_space<hbm>>)
      tpu.yield
    }) : () -> ()
    return
  }
}

module attributes {stable_mosaic.version = 14 : i64} {
  func.func @_tc_loss_body(%arg0: memref<2048x128xf32, #tpu.memory_space<vmem>>, %arg1: memref<2048x8xf32, #tpu.memory_space<vmem>>, %arg2: memref<1x1xf32, #tpu.memory_space<vmem>>) attributes {dimension_semantics = [], scalar_prefetch = 0 : i64, scratch_operands = 0 : i64, tpu.core_type = #tpu.core_type<tc>} {
    %get3A = arith.constant 0 : index
    %get3A_0 = arith.constant 0 : index
    %get3A_1 = vector.load %arg0[%get3A, %get3A_0] : memref<2048x128xf32, #tpu.memory_space<vmem>>, vector<2048x128xf32>
    %reshape3A = vector.shape_cast %get3A_1 : vector<2048x128xf32> to vector<2048x8x16xf32>
    %reduce_sum3A = arith.constant dense<0.000000e+00> : vector<2048x8xf32>
    %reduce_sum3A_2 = vector.multi_reduction <add>, %reshape3A, %reduce_sum3A [2] : vector<2048x8x16xf32> to vector<2048x8xf32>
    %get3A_3 = arith.constant 0 : index
    %get3A_4 = arith.constant 0 : index
    %get3A_5 = vector.load %arg1[%get3A_3, %get3A_4] : memref<2048x8xf32, #tpu.memory_space<vmem>>, vector<2048x8xf32>
    %max3A = arith.constant 0.000000e+00 : f32
    %max3A_6 = vector.broadcast %max3A : f32 to vector<2048x8xf32>
    %max3A_7 = arith.maximumf %reduce_sum3A_2, %max3A_6 : vector<2048x8xf32>
    %mul3A = arith.mulf %reduce_sum3A_2, %get3A_5 : vector<2048x8xf32>
    %sub3A = arith.subf %max3A_7, %mul3A : vector<2048x8xf32>
    %abs3A = math.absf %reduce_sum3A_2 : vector<2048x8xf32>
    %neg3A = arith.constant 0.000000e+00 : f32
    %neg3A_8 = vector.broadcast %neg3A : f32 to vector<2048x8xf32>
    %neg3A_9 = arith.subf %neg3A_8, %abs3A : vector<2048x8xf32>
    %exp3A = math.exp %neg3A_9 : vector<2048x8xf32>
    %log1p3A = math.log1p %exp3A : vector<2048x8xf32>
    %add3A = arith.addf %sub3A, %log1p3A : vector<2048x8xf32>
    %reduce_sum3A_10 = vector.shape_cast %add3A : vector<2048x8xf32> to vector<1x2048x8xf32>
    %reduce_sum3A_11 = arith.constant dense<0.000000e+00> : vector<1xf32>
    %reduce_sum3A_12 = vector.multi_reduction <add>, %reduce_sum3A_10, %reduce_sum3A_11 [1, 2] : vector<1x2048x8xf32> to vector<1xf32>
    %reduce_sum3A_13 = vector.shape_cast %reduce_sum3A_12 : vector<1xf32> to vector<1x1x1xf32>
    %reduce_sum3A_14 = vector.extract %reduce_sum3A_13[0, 0, 0] : f32 from vector<1x1x1xf32>
    %reshape3A_15 = vector.broadcast %reduce_sum3A_14 : f32 to vector<1x1xf32>
    %mul3A_16 = arith.constant 6.10351563E-5 : f32
    %mul3A_17 = vector.broadcast %mul3A_16 : f32 to vector<1x1xf32>
    %mul3A_18 = arith.mulf %reshape3A_15, %mul3A_17 : vector<1x1xf32>
    %swap3A = arith.constant 0 : index
    %swap3A_19 = arith.constant 0 : index
    %swap3A_20 = vector.load %arg2[%swap3A, %swap3A_19] : memref<1x1xf32, #tpu.memory_space<vmem>>, vector<1x1xf32>
    tpu.vector_store %arg2[%swap3A, %swap3A_19], %mul3A_18 {strides = array<i32>} : memref<1x1xf32, #tpu.memory_space<vmem>>, vector<1x1xf32>,
    return
  }
}

</mosaic_0001>

<sc_bundles>
// kernel: kernel.5.cloned.1.call-start
scs
__scs_entry_jumppad:
0x0: {  	(pc) =	sbr.rel $0x88, $3  }
0x1: {  	(tag) =	ssettag $0x0;
	lr =	simm.s32 $0x1  }
0x2: {  	[smem:$0x3F9C] =	sst lr;
	_ =	strace $0xD0000000  }
0x3: {  	_ = 	snop  }
0x4: {  	_ = 	snop  }
0x5: {  	_ = 	snop  }
0x6: {  	_ = 	snop  }
0x7: {  	_ = 	snop  }
__scs_overlays_trampoline_lowered:
0x8: {  	[smem:$0x3FAB] =	sst s0  }
0x9: {  	[smem:$0x3FAC] =	sst s1  }
0xa: {  	[smem:$0x3FAD] =	sst s2  }
0xb: {  	[smem:$0x3FAE] =	sst s3  }
0xc: {  	[smem:$0x3FAF] =	sst s4  }
0xd: {  	[smem:$0x3FB0] =	sst s5  }
0xe: {  	[smem:$0x3FB1] =	sst s6  }
0xf: {  	[smem:$0x3FB2] =	sst s7  }
0x10: {  	[smem:$0x3FB3] =	sst s8  }
0x11: {  	[smem:$0x3FB4] =	sst s9;
	s0 =	simm.s32 @!p0 $0x0  }
0x12: {  	s1 =	sld [smem:$0x3F9A];
	s0 =	simm.s32 @p0 $0x1  }
0x13: {  	[smem:$0x3FB5] =	sst s0;
	s0 =	simm.s32 @!p1 $0x0  }
0x14: {  	s2 =	sld [smem:$0x3F99];
	s0 =	simm.s32 @p1 $0x1  }
0x15: {  	[smem:$0x3FB6] =	sst s0;
	s0 =	simm.s32 @!p2 $0x0  }
0x16: {  	s3 =	sld [smem:$0x3FDB];
	s0 =	simm.s32 @p2 $0x1  }
0x17: {  	s4 =	simm.s32 $0x1BF5;
	[smem:$0x3FB8] =	sst s0  }
0x18: {  	s0 =	sld [smem:$0x3F9B];
	_ =	swait.ge [sflag:s4], $0x0  }
0x19: {  	s7 =	sld [smem:$0x3F9C]  }
0x1a: {  	s8 =	sadd.s32 $0xFFFFE003, lr  }
0x1b: {  	s9 =	sadd.s32 $0xFFFFFEF7, lr;
	s5 =	simm.s32 $0xFFFFFFFF;
	p2 =	slt.u32 s8, $0xFFFFF086  }
0x1c: {  	p1 =	slt.u32 s9, $0xF7A;
	s5 =	simm.s32 @!p2 $0x0  }
0x1d: {  	s5 =	simm.s32 @p1 $0x1;
	p0 =	seq.s32 s7, s2  }
0x1e: {  	s7 =	smul.u32 @!p0 $0xF7A, s2;
	p2 =	seq.s32 @!p0 s5, $0x0  }
0x1f: {  	s9 =	smul.u32 $0xF7A, s1;
	s8 =	simm.s32 @!p0 $0x1BF5;
	p2 =	por !p2, p0  }
0x20: {  	[sflag:s8] =	ssyncset.s32 @!p0 $0xFFFFF086;
	s6 =	sadd.s32 @!p0 s3, s7;
	s7 =	simm.s32 @!p0 $0x108  }
0x21: {  	s3 =	sadd.s32 s3, s9;
	s6 =	sadd.s32 @!p0 $0x88, s6;
	s7 =	simm.s32 @p2 $0x1082  }
0x22: {  	[simem:s7], [sflag:s8] =	dma.local @!p0 [hbm:s6], $0xF7A  }
0x23: {  	s9 =	sor.u32 $0xD0000000, s2;
	s6 =	simm.s32 $0x108;
	_ =	swait.ge @!p0 [sflag:s8], $0x0  }
0x24: {  	s3 =	sadd.s32 $0x88, s3;
	s6 =	simm.s32 @!p1 $0x1082;
	[sflag:s4] =	ssyncset.s32 $0xFFFFF086  }
0x25: {  	[simem:s6], [sflag:s4] =	dma.local [hbm:s3], $0xF7A  }
0x26: {  	[smem:$0x3F9C] =	sst s1;
	(tag) =	ssettag s2;
	_ =	strace s9  }
0x27: {  	s1 =	sld [smem:$0x3FAC]  }
0x28: {  	s2 =	sld [smem:$0x3FAD]  }
0x29: {  	s4 =	sld [smem:$0x3FAF]  }
0x2a: {  	p0 =	seq.s32 s5, $0x0;
	s5 =	sld [smem:$0x3FB0]  }
0x2b: {  	s6 =	sld [smem:$0x3FB1]  }
0x2c: {  	s7 =	sld [smem:$0x3FB2]  }
0x2d: {  	s3 =	simm.s32 $0x108;
	s8 =	sld [smem:$0x3FB3]  }
0x2e: {  	s3 =	simm.s32 @!p0 $0x1082;
	s9 =	sld [smem:$0x3FB4]  }
0x2f: {  	lr =	sadd.s32 s0, s3;
	s0 =	sld [smem:$0x3FAB]  }
0x30: {  	s3 =	sld [smem:$0x3FAE]  }
0x31: {  	[smem:$0x3FB7] =	sst s10  }
0x32: {  	s10 =	sld [smem:$0x3FB5];
	_ =	sdelay $0x3  }
0x33: {  	p0 =	seq.s32 s10, $0x1;
	s10 =	sld [smem:$0x3FB7];
	_ =	sdelay $0x3  }
0x34: {  	[smem:$0x3FB7] =	sst s10  }
0x35: {  	s10 =	sld [smem:$0x3FB6];
	_ =	sdelay $0x3  }
0x36: {  	p1 =	seq.s32 s10, $0x1;
	s10 =	sld [smem:$0x3FB7];
	_ =	sdelay $0x3  }
0x37: {  	[smem:$0x3FB7] =	sst s10  }
0x38: {  	s10 =	sld [smem:$0x3FB8]  }
0x39: {  	_ = 	snop;
	(pc) =	sbr.ind lr, $3  }
0x3a: {  	_ = 	snop  }
0x3b: {  	_ = 	snop  }
0x3c: {  	p2 =	seq.s32 s10, $0x1;
	s10 =	sld [smem:$0x3FB7]  }
0x3d: {  	_ =	shalt  }
0x3e: {  	_ =	shalt  }
0x3f: {  	_ =	shalt  }
0x40: {  	_ =	shalt  }
0x41: {  	_ =	shalt  }
0x42: {  	_ =	shalt  }
0x43: {  	_ =	shalt  }
0x44: {  	_ =	shalt  }
0x45: {  	_ =	shalt  }
0x46: {  	_ =	shalt  }
0x47: {  	_ =	shalt  }
0x48: {  	_ =	shalt  }
0x49: {  	_ =	shalt  }
0x4a: {  	_ =	shalt  }
0x4b: {  	_ =	shalt  }
0x4c: {  	_ =	shalt  }
0x4d: {  	_ =	shalt  }
0x4e: {  	_ =	shalt  }
0x4f: {  	_ =	shalt  }
0x50: {  	_ =	shalt  }
0x51: {  	_ =	shalt  }
0x52: {  	_ =	shalt  }
0x53: {  	_ =	shalt  }
0x54: {  	_ =	shalt  }
0x55: {  	_ =	shalt  }
0x56: {  	_ =	shalt  }
0x57: {  	_ =	shalt  }
0x58: {  	_ =	shalt  }
0x59: {  	_ =	shalt  }
0x5a: {  	_ =	shalt  }
0x5b: {  	_ =	shalt  }
0x5c: {  	_ =	shalt  }
0x5d: {  	_ =	shalt  }
0x5e: {  	_ =	shalt  }
0x5f: {  	_ =	shalt  }
0x60: {  	_ =	shalt  }
0x61: {  	_ =	shalt  }
0x62: {  	_ =	shalt  }
0x63: {  	_ =	shalt  }
0x64: {  	_ =	shalt  }
0x65: {  	_ =	shalt  }
0x66: {  	_ =	shalt  }
0x67: {  	_ =	shalt  }
0x68: {  	_ =	shalt  }
0x69: {  	_ =	shalt  }
0x6a: {  	_ =	shalt  }
0x6b: {  	_ =	shalt  }
0x6c: {  	_ =	shalt  }
0x6d: {  	_ =	shalt  }
0x6e: {  	_ =	shalt  }
0x6f: {  	_ =	shalt  }
0x70: {  	_ =	shalt  }
0x71: {  	_ =	shalt  }
0x72: {  	_ =	shalt  }
0x73: {  	_ =	shalt  }
0x74: {  	_ =	shalt  }
0x75: {  	_ =	shalt  }
0x76: {  	_ =	shalt  }
0x77: {  	_ =	shalt  }
0x78: {  	_ =	shalt  }
0x79: {  	_ =	shalt  }
0x7a: {  	_ =	shalt  }
0x7b: {  	_ =	shalt  }
0x7c: {  	_ =	shalt  }
0x7d: {  	_ =	shalt  }
0x7e: {  	_ =	shalt  }
0x7f: {  	_ =	shalt  }
0x80: {  	_ =	shalt  }
0x81: {  	_ =	shalt  }
0x82: {  	_ =	shalt  }
0x83: {  	_ =	shalt  }
0x84: {  	_ =	shalt  }
0x85: {  	_ =	shalt  }
0x86: {  	_ =	shalt  }
0x87: {  	_ =	shalt  }
.Lfunc_end0:
.L_simem_size_0:
called_computation_lowered:
.L_overlay_start_0:
0x88: {  	s2 =	sld [smem:$0x3FD9]  }
0x89: {  	s3 =	sld [smem:$0x3FFE];
	_ =	sdelay $0x1  }
0x8a: {  	s1 =	srdreg.scid  }
0x8b: {  	s0 =	sand.u32 $0x1, s1  }
0x8c: {  	s17 =	sshll.u32 s0, $0xA;
	s2 =	sadd.s32 s3, s2  }
0x8d: {  	s2 =	sadd.s32 s2, s17  }
0x8e: {  	[smem:$0x3FC3] =	sst s2  }
0x8f: {  	_ = 	snop  }
0x90: {  	s2 =	sld [smem:$0x3FC8];
	(tm) =	ssettm $0x1  }
0x91: {  	s18 =	sld [smem:$0x3FFB];
	_ =	sdelay $0x3  }
0x92: {  	_ =	strace s18  }
0x93: {  	s3 =	sld [smem:$0x3FFC];
	_ =	sdelay $0x3  }
0x94: {  	_ =	strace s3  }
0x95: {  	s3 =	sld [smem:$0x3FFD];
	_ =	sdelay $0x3  }
0x96: {  	_ =	strace s3  }
0x97: {  	_ =	strace $0x8FFFFFFF  }
0x98: {  	s19 =	sld [smem:$0x3FDB];
	_ =	sdelay $0x1  }
0x99: {  	s4 =	simm.s32 $_scs_section_size  }
0x9a: {  	s5 =	simm.s32 $_size__tile_overlayer_lowered;
	s6 =	simm.s32 $_tile_overlayer_lowered  }
0x9b: {  	s22 =	simm.s32 $0x1BFF;
	s21 =	sshll.u32 s6, $0x1;
	s3 =	sadd.s32 s4, s19  }
0x9c: {  	s7 =	simm.s32 $0x0;
	s20 =	sshll.u32 s5, $0x1;
	s5 =	sadd.s32 s21, s3  }
0x9d: {  	[timem:s7], [sflag:s22] =	dma.local [hbm:s5], s20  }
0x9e: {  	_ =	swait.ge [sflag:s22], s20  }
0x9f: {  	s4 =	ssub.s32 $0x0, s20;
	[sflag:s22] =	ssyncset.done $0x0  }
0xa0: {  	[sflag:s22] =	ssyncadd.s32 s4;
	_ =	sdelay $0x1  }
0xa1: {  	s23 =	simm.s32 $0x1B8B  }
0xa2: {  	_ =	swait.ge [sflag:s23], $0x1  }
0xa3: {  	[sflag:s23] =	ssyncset.done $0x0  }
0xa4: {  	s25 =	simm.s32 $0x1B8E;
	s24 =	sld [smem:$0x3FFE];
	[sflag:s23] =	ssyncadd.s32 $0xFFFFFFFF  }
0xa5: {  	s26 =	simm.s32 $execute0_lowered;
	[smem:$0x3FD2] =	sst s25  }
0xa6: {  	s5 =	sshll.u32 s26, $0x1;
	_ =	strace $0x80000046;
	[dreg:$0x1] =	wrdreg $0xFFFFFFFF  }
0xa7: {  	s28 =	simm.s32 $_size_execute0_lowered;
	s3 =	sadd.s32 s3, s5;
	[dreg:$0x0] =	wrdreg $0x0  }
0xa8: {  	s5 =	sshll.u32 s28, $0x1;
	[dreg:$0x2] =	wrdreg s3  }
0xa9: {  	[dreg:$0x3] =	wrdreg s5  }
0xaa: {  	[dreg:$0x4] =	wrdreg $0xC0  }
0xab: {  	_ =	task [dreg:s7], $0x5FFFF  }
0xac: {  	[dreg:$0x1] =	wrdreg $0xFFFFFFFF  }
0xad: {  	[dreg:$0x0] =	wrdreg $0x60  }
0xae: {  	[dreg:$0x2] =	wrdreg s24  }
0xaf: {  	[dreg:$0x3] =	wrdreg s2  }
0xb0: {  	[dreg:$0x4] =	wrdreg $0x9  }
0xb1: {  	_ =	task.clear_ibuf [dreg:s7], $0x5FFFF;
	_ =	strace $0x90000046  }
0xb2: {  	s29 =	simm.s32 $0x9;
	_ =	strace $0x80000048  }
0xb3: {  	_ =	swait.ge [sflag:s29], $0x1  }
0xb4: {  	[sflag:s29] =	ssyncadd.s32 $0xFFFFFFFF  }
0xb5: {  	_ =	strace $0x90000048  }
0xb6: {  	_ =	sfence  }
0xb7: {  	s30 =	sld [smem:$0x0];
	_ =	sdelay $0x2  }
0xb8: {  	s31 =	sshll.u32 s1, $0xD;
	s1 =	sshrl.u32 s1, $0x2  }
0xb9: {  	s3 =	sand.u32 $0x4000, s31;
	s1 =	sadd.s32 s1, s30  }
0xba: {  	s0 =	sor.u32 s3, s0;
	s1 =	sshll.u32 s1, $0x11  }
0xbb: {  	s0 =	sor.u32 s1, s0  }
0xbc: {  	s0 =	sadd.s32 $0x8F2B, s0  }
0xbd: {  	[sflag:s0] =	ssyncadd.remote.s32 $0x1  }
0xbe: {  	_ =	sfence.sel $0xFFFF  }
0xbf: {  	[dreg:$0x0] =	wrdreg $0xFFFFFFFF;
	(pc) =	sbr.abs _section_cstart, $3  }
0xc0: {  	[dreg:$0x1] =	wrdreg $0xFFFFFFFF  }
0xc1: {  	_ =	task.clear_ibuf [dreg:s7], $0x2FFFF;
	_ =	strace $0x9FFFFFFF  }
0xc2: {  	(tm) =	ssettm $0x7FFFFFFF  }
0xc3: {  	_ =	shalt  }
tec
execute0_lowered:
.L_overlay_start_1:
0x0: {  	(tag) =	ssettag $0x1  }
0x1: {  	s4 =	rddreg [dreg:$0x0]  }
0x2: {  	s5 =	rddreg [dreg:$0x1]  }
0x3: {  	s0 =	rddreg [dreg:$0x2];
	s2 =	simm.s32 $0x0;
	s3 =	srdreg.scid  }
0x4: {  	s1 =	stileid.u32;
	s9 =	simm.s32 $0x10280;
	s10 =	simm.s32 $0x3  }
0x5: {  	s11 =	simm.s32 $0x0;
	s6 =	sand.u32 $0x1, s3;
	s30 =	sshll.u32 s1, $0x1  }
0x6: {  	[smem:$0x7FF] =	sst s2;
	s3 =	sadd.s32 $0xC00, s4;
	s7 =	sor.u32 s6, s30  }
0x7: {  	_ =	strace $0x80000047;
	s6 =	ssub.s32 $0x2, s6;
	s8 =	sshll.u32 s7, $0xC  }
0x8: {  	s31 =	sshrl.u32 s6, $0x1;
	s7 =	sshll.u32 s7, $0x6;
	s8 =	sadd.s32 s8, s4  }
0x9: {  	s6 =	ssub.s32 s6, s31;
	s4 =	sadd.s32 s5, s7;
	s7 =	simm.s32 $0x1  }
0xa: {  	s5 =	sadd.s32 $0xF43000, s8;
	s6 =	smax.u32 s6, $0x1;
	s8 =	simm.s32 $0x2  }
.LBB2_1:
0xb: {  	[tilespmem:s2], [sflag:$0x1] =	stream.linear.gather [hbm4b:s4+s2], $0x200, $0x38;
	[tilespmem:$0x18280] =	vst v63  }
0xc: {  	_ =	swait.ge [sflag:s7], $0x200  }
0xd: {  	[sflag:s7] =	ssyncset.done $0x0  }
0xe: {  	s12 =	simm.s32 $0x0;
	[sflag:s7] =	ssyncadd.s32 $0xFFFFFE00  }
0xf: {  	v0 =	vld [tilespmem:s12+$0x0];
	_ =	sdelay $0x4  }
0x10: {  	(v2sf) =	vpush v0, $0x0;
	_ =	sdelay $0xe  }
0x11: {  	s30 =	spop (v2sf)  }
0x12: {  	s12 =	sshll.u32 s30, $0x4  }
0x13: {  	s13 =	sand.u32 $0x1FFFFFF0, s12  }
0x14: {  	s31 =	simm.s32 $0x1;
	s12 =	simm.s32 $0x280;
	s13 =	sadd.s32 s3, s13  }
0x15: {  	[tilespmem:s12], [sflag:$0x2] =	stream.linear.gather [hbm4b:s13+s2], $0x80, $0x38;
	[tilespmem:$0x18280] =	vst v63  }
0x16: {  	s13 =	simm.s32 $0x8;
	v0 =	vld [tilespmem:s31+$0x0]  }
.LBB2_2:
0x17: {  	p0 =	sne.s32 s13, $0x7FC;
	_ =	sdelay $0x3  }
0x18: {  	(v2sf) =	vpush v0, $0x0;
	_ =	sdelay $0xe  }
0x19: {  	s14 =	spop (v2sf)  }
.Ltmp0:
0x1a: {  	s14 =	sshll.u32 s14, $0x4;
	(pc) =	sbr.rel @p0 .LBB2_2-.Ltmp0, $4  }
0x1b: {  	s14 =	sand.u32 $0x1FFFFFF0, s14  }
0x1c: {  	s15 =	sshra.s32 s13, $0x2;
	s12 =	sadd.s32 $0x80, s12;
	s14 =	sadd.s32 s3, s14  }
0x1d: {  	[tilespmem:s12], [sflag:$0x2] =	stream.linear.gather [hbm4b:s14+s2], $0x80, $0x38;
	[tilespmem:$0x18280] =	vst v63  }
0x1e: {  	s13 =	sadd.s32 $0x4, s13;
	v0 =	vld [tilespmem:s15+$0x0]  }
0x1f: {  	_ =	sdelay $0x3  }
0x20: {  	(v2sf) =	vpush v0, $0x0;
	_ =	sdelay $0xe  }
0x21: {  	s13 =	spop (v2sf)  }
0x22: {  	s13 =	sshll.u32 s13, $0x4  }
0x23: {  	s13 =	sand.u32 $0x1FFFFFF0, s13  }
0x24: {  	s12 =	sadd.s32 $0x80, s12;
	s13 =	sadd.s32 s3, s13  }
0x25: {  	[tilespmem:s12], [sflag:$0x2] =	stream.linear.gather [hbm4b:s13+s2], $0x80, $0x38;
	[tilespmem:$0x18280] =	vst v63  }
0x26: {  	_ =	swait.ge [sflag:s8], $0x8000  }
0x27: {  	[sflag:s8] =	ssyncset.done $0x0  }
0x28: {  	s31 =	simm.s32 $0x0;
	[sflag:s8] =	ssyncadd.s32 $0xFFFF8000  }
0x29: {  	v63 =	vld [tilespmem:s31+$0x280];
	_ =	sdelay $0x3  }
0x2a: {  	s12 =	simm.s32 $0x102A0  }
0x2b: {  	[tilespmem:s12+$0xFFFFFFE0] =	vst v63  }
0x2c: {  	v0 =	vld [tilespmem:s31+$0x290];
	_ =	sdelay $0x4  }
0x2d: {  	[tilespmem:s12+$0xFFFFFFF0] =	vst v0  }
0x2e: {  	v0 =	vld [tilespmem:s31+$0x2A0];
	_ =	sdelay $0x4  }
0x2f: {  	[tilespmem:s12+$0x0] =	vst v0  }
0x30: {  	v0 =	vld [tilespmem:s31+$0x2B0];
	_ =	sdelay $0x4  }
0x31: {  	s14 =	simm.s32 $0x400;
	s13 =	simm.s32 $0x80;
	[tilespmem:s12+$0x10] =	vst v0  }
.LBB2_4:
0x32: {  	p0 =	sne.s32 s14, $0x3FE00;
	v0 =	vld [tilespmem:s13+$0x280];
	_ =	sdelay $0x3  }
0x33: {  	s12 =	sadd.s32 $0x40, s12  }
0x34: {  	[tilespmem:s12+$0xFFFFFFE0] =	vst v0  }
0x35: {  	v0 =	vld [tilespmem:s13+$0x290];
	_ =	sdelay $0x4  }
0x36: {  	[tilespmem:s12+$0xFFFFFFF0] =	vst v0  }
0x37: {  	v0 =	vld [tilespmem:s13+$0x2A0];
	_ =	sdelay $0x4  }
0x38: {  	[tilespmem:s12+$0x0] =	vst v0  }
0x39: {  	v0 =	vld [tilespmem:s13+$0x2B0]  }
.Ltmp1:
0x3a: {  	(pc) =	sbr.rel @p0 .LBB2_4-.Ltmp1, $2  }
0x3b: {  	_ =	sdelay $0x2  }
0x3c: {  	s13 =	sshra.s32 s14, $0x2;
	s14 =	sadd.s32 $0x200, s14;
	[tilespmem:s12+$0x10] =	vst v0  }
0x3d: {  	v0 =	vld [tilespmem:s13+$0x280];
	_ =	sdelay $0x3  }
0x3e: {  	s12 =	sadd.s32 $0x40, s12  }
0x3f: {  	[tilespmem:s12+$0xFFFFFFE0] =	vst v0  }
0x40: {  	v0 =	vld [tilespmem:s13+$0x290];
	_ =	sdelay $0x4  }
0x41: {  	[tilespmem:s12+$0xFFFFFFF0] =	vst v0  }
0x42: {  	v0 =	vld [tilespmem:s13+$0x2A0];
	_ =	sdelay $0x4  }
0x43: {  	[tilespmem:s12+$0x0] =	vst v0  }
0x44: {  	v0 =	vld [tilespmem:s13+$0x2B0];
	_ =	sdelay $0x2  }
0x45: {  	s11 =	sadd.s32 $0x1, s11  }
0x46: {  	p0 =	sne.s32 s11, s6  }
.Ltmp2:
0x47: {  	[tilespmem:s12+$0x10] =	vst v0;
	(pc) =	sbr.rel @p0 .LBB2_1-.Ltmp2, $4  }
0x48: {  	[hbm4b:s5+s2] =	stream.linear.scatter [tilespmem:s9], [sflag:$0x3], $0x8000, $0x38;
	[tilespmem:$0x18280] =	vst v63  }
0x49: {  	_ =	swait.ge [sflag:s10], $0x8000  }
0x4a: {  	[sflag:s10] =	ssyncset.done $0x0  }
0x4b: {  	[sflag:s10] =	ssyncadd.s32 $0xFFFF8000  }
0x4c: {  	_ =	sfence.sel $0x180000  }
0x4d: {  	[bflag:$0x0] =	sbarrier.arrive $0xFFFF  }
0x4e: {  	p0 =	sne.s32 s1, $0x0;
	_ =	strace $0x90000047  }
0x4f: {  	s0 =	sadd.s32 @!p0 $0x100000, s0;
	[bflag:$0x2] =	sbarrier.arrive $0xFFFF  }
0x50: {  	[sflag:s0] =	ssyncadd.tile.s32 @!p0 $0x1;
	_ =	shalt  }
.Lfunc_end2:
_tile_overlayer_lowered:
.L_overlay_start_2:
0x51: {  	(tag) =	ssettag $0x2  }
0x52: {  	s0 =	rddreg [dreg:$0x0];
	s2 =	stileid.u32  }
0x53: {  	s1 =	rddreg [dreg:$0x1];
	p0 =	sne.s32 s2, $0x0  }
0x54: {  	s3 =	rddreg [dreg:$0x2];
	[bflag:$0x3] =	sbarrier.arrive $0xFFFF;
	s2 =	simm.s32 @!p0 $0x1C03  }
0x55: {  	[timem:s3], [sflag:s2] =	dma.local @!p0 [hbm:s0], s1  }
0x56: {  	s0 =	simm.s32 @!p0 $0x3  }
0x57: {  	_ =	swait.ge @!p0 [sflag:s0], s1  }
0x58: {  	s1 =	ssub.s32 @!p0 $0x0, s1;
	[sflag:s0] =	ssyncset.done @!p0 $0x0  }
0x59: {  	[sflag:s0] =	ssyncadd.s32 @!p0 s1  }
0x5a: {  	[bflag:$0x3] =	sbarrier.arrive $0xFFFF  }
0x5b: {  	_ =	shalt  }

// kernel: kernel.8.cloned.1.call-start
scs
__scs_entry_jumppad:
0x0: {  	(pc) =	sbr.rel $0x88, $3  }
0x1: {  	(tag) =	ssettag $0x0;
	lr =	simm.s32 $0x1  }
0x2: {  	[smem:$0x3F9C] =	sst lr;
	_ =	strace $0xD0000000  }
0x3: {  	_ = 	snop  }
0x4: {  	_ = 	snop  }
0x5: {  	_ = 	snop  }
0x6: {  	_ = 	snop  }
0x7: {  	_ = 	snop  }
__scs_overlays_trampoline_lowered:
0x8: {  	[smem:$0x3FAB] =	sst s0  }
0x9: {  	[smem:$0x3FAC] =	sst s1  }
0xa: {  	[smem:$0x3FAD] =	sst s2  }
0xb: {  	[smem:$0x3FAE] =	sst s3  }
0xc: {  	[smem:$0x3FAF] =	sst s4  }
0xd: {  	[smem:$0x3FB0] =	sst s5  }
0xe: {  	[smem:$0x3FB1] =	sst s6  }
0xf: {  	[smem:$0x3FB2] =	sst s7  }
0x10: {  	[smem:$0x3FB3] =	sst s8  }
0x11: {  	[smem:$0x3FB4] =	sst s9;
	s0 =	simm.s32 @!p0 $0x0  }
0x12: {  	s1 =	sld [smem:$0x3F9A];
	s0 =	simm.s32 @p0 $0x1  }
0x13: {  	[smem:$0x3FB5] =	sst s0;
	s0 =	simm.s32 @!p1 $0x0  }
0x14: {  	s2 =	sld [smem:$0x3F99];
	s0 =	simm.s32 @p1 $0x1  }
0x15: {  	[smem:$0x3FB6] =	sst s0;
	s0 =	simm.s32 @!p2 $0x0  }
0x16: {  	s3 =	sld [smem:$0x3FDB];
	s0 =	simm.s32 @p2 $0x1  }
0x17: {  	s4 =	simm.s32 $0x1BF5;
	[smem:$0x3FB8] =	sst s0  }
0x18: {  	s0 =	sld [smem:$0x3F9B];
	_ =	swait.ge [sflag:s4], $0x0  }
0x19: {  	s7 =	sld [smem:$0x3F9C]  }
0x1a: {  	s8 =	sadd.s32 $0xFFFFE003, lr  }
0x1b: {  	s9 =	sadd.s32 $0xFFFFFEF7, lr;
	s5 =	simm.s32 $0xFFFFFFFF;
	p2 =	slt.u32 s8, $0xFFFFF086  }
0x1c: {  	p1 =	slt.u32 s9, $0xF7A;
	s5 =	simm.s32 @!p2 $0x0  }
0x1d: {  	s5 =	simm.s32 @p1 $0x1;
	p0 =	seq.s32 s7, s2  }
0x1e: {  	s7 =	smul.u32 @!p0 $0xF7A, s2;
	p2 =	seq.s32 @!p0 s5, $0x0  }
0x1f: {  	s9 =	smul.u32 $0xF7A, s1;
	s8 =	simm.s32 @!p0 $0x1BF5;
	p2 =	por !p2, p0  }
0x20: {  	[sflag:s8] =	ssyncset.s32 @!p0 $0xFFFFF086;
	s6 =	sadd.s32 @!p0 s3, s7;
	s7 =	simm.s32 @!p0 $0x108  }
0x21: {  	s3 =	sadd.s32 s3, s9;
	s6 =	sadd.s32 @!p0 $0x88, s6;
	s7 =	simm.s32 @p2 $0x1082  }
0x22: {  	[simem:s7], [sflag:s8] =	dma.local @!p0 [hbm:s6], $0xF7A  }
0x23: {  	s9 =	sor.u32 $0xD0000000, s2;
	s6 =	simm.s32 $0x108;
	_ =	swait.ge @!p0 [sflag:s8], $0x0  }
0x24: {  	s3 =	sadd.s32 $0x88, s3;
	s6 =	simm.s32 @!p1 $0x1082;
	[sflag:s4] =	ssyncset.s32 $0xFFFFF086  }
0x25: {  	[simem:s6], [sflag:s4] =	dma.local [hbm:s3], $0xF7A  }
0x26: {  	[smem:$0x3F9C] =	sst s1;
	(tag) =	ssettag s2;
	_ =	strace s9  }
0x27: {  	s1 =	sld [smem:$0x3FAC]  }
0x28: {  	s2 =	sld [smem:$0x3FAD]  }
0x29: {  	s4 =	sld [smem:$0x3FAF]  }
0x2a: {  	p0 =	seq.s32 s5, $0x0;
	s5 =	sld [smem:$0x3FB0]  }
0x2b: {  	s6 =	sld [smem:$0x3FB1]  }
0x2c: {  	s7 =	sld [smem:$0x3FB2]  }
0x2d: {  	s3 =	simm.s32 $0x108;
	s8 =	sld [smem:$0x3FB3]  }
0x2e: {  	s3 =	simm.s32 @!p0 $0x1082;
	s9 =	sld [smem:$0x3FB4]  }
0x2f: {  	lr =	sadd.s32 s0, s3;
	s0 =	sld [smem:$0x3FAB]  }
0x30: {  	s3 =	sld [smem:$0x3FAE]  }
0x31: {  	[smem:$0x3FB7] =	sst s10  }
0x32: {  	s10 =	sld [smem:$0x3FB5];
	_ =	sdelay $0x3  }
0x33: {  	p0 =	seq.s32 s10, $0x1;
	s10 =	sld [smem:$0x3FB7];
	_ =	sdelay $0x3  }
0x34: {  	[smem:$0x3FB7] =	sst s10  }
0x35: {  	s10 =	sld [smem:$0x3FB6];
	_ =	sdelay $0x3  }
0x36: {  	p1 =	seq.s32 s10, $0x1;
	s10 =	sld [smem:$0x3FB7];
	_ =	sdelay $0x3  }
0x37: {  	[smem:$0x3FB7] =	sst s10  }
0x38: {  	s10 =	sld [smem:$0x3FB8]  }
0x39: {  	_ = 	snop;
	(pc) =	sbr.ind lr, $3  }
0x3a: {  	_ = 	snop  }
0x3b: {  	_ = 	snop  }
0x3c: {  	p2 =	seq.s32 s10, $0x1;
	s10 =	sld [smem:$0x3FB7]  }
0x3d: {  	_ =	shalt  }
0x3e: {  	_ =	shalt  }
0x3f: {  	_ =	shalt  }
0x40: {  	_ =	shalt  }
0x41: {  	_ =	shalt  }
0x42: {  	_ =	shalt  }
0x43: {  	_ =	shalt  }
0x44: {  	_ =	shalt  }
0x45: {  	_ =	shalt  }
0x46: {  	_ =	shalt  }
0x47: {  	_ =	shalt  }
0x48: {  	_ =	shalt  }
0x49: {  	_ =	shalt  }
0x4a: {  	_ =	shalt  }
0x4b: {  	_ =	shalt  }
0x4c: {  	_ =	shalt  }
0x4d: {  	_ =	shalt  }
0x4e: {  	_ =	shalt  }
0x4f: {  	_ =	shalt  }
0x50: {  	_ =	shalt  }
0x51: {  	_ =	shalt  }
0x52: {  	_ =	shalt  }
0x53: {  	_ =	shalt  }
0x54: {  	_ =	shalt  }
0x55: {  	_ =	shalt  }
0x56: {  	_ =	shalt  }
0x57: {  	_ =	shalt  }
0x58: {  	_ =	shalt  }
0x59: {  	_ =	shalt  }
0x5a: {  	_ =	shalt  }
0x5b: {  	_ =	shalt  }
0x5c: {  	_ =	shalt  }
0x5d: {  	_ =	shalt  }
0x5e: {  	_ =	shalt  }
0x5f: {  	_ =	shalt  }
0x60: {  	_ =	shalt  }
0x61: {  	_ =	shalt  }
0x62: {  	_ =	shalt  }
0x63: {  	_ =	shalt  }
0x64: {  	_ =	shalt  }
0x65: {  	_ =	shalt  }
0x66: {  	_ =	shalt  }
0x67: {  	_ =	shalt  }
0x68: {  	_ =	shalt  }
0x69: {  	_ =	shalt  }
0x6a: {  	_ =	shalt  }
0x6b: {  	_ =	shalt  }
0x6c: {  	_ =	shalt  }
0x6d: {  	_ =	shalt  }
0x6e: {  	_ =	shalt  }
0x6f: {  	_ =	shalt  }
0x70: {  	_ =	shalt  }
0x71: {  	_ =	shalt  }
0x72: {  	_ =	shalt  }
0x73: {  	_ =	shalt  }
0x74: {  	_ =	shalt  }
0x75: {  	_ =	shalt  }
0x76: {  	_ =	shalt  }
0x77: {  	_ =	shalt  }
0x78: {  	_ =	shalt  }
0x79: {  	_ =	shalt  }
0x7a: {  	_ =	shalt  }
0x7b: {  	_ =	shalt  }
0x7c: {  	_ =	shalt  }
0x7d: {  	_ =	shalt  }
0x7e: {  	_ =	shalt  }
0x7f: {  	_ =	shalt  }
0x80: {  	_ =	shalt  }
0x81: {  	_ =	shalt  }
0x82: {  	_ =	shalt  }
0x83: {  	_ =	shalt  }
0x84: {  	_ =	shalt  }
0x85: {  	_ =	shalt  }
0x86: {  	_ =	shalt  }
0x87: {  	_ =	shalt  }
.Lfunc_end0:
.L_simem_size_0:
called_computation.1_lowered:
.L_overlay_start_0:
0x88: {  	s2 =	sld [smem:$0x3FD9]  }
0x89: {  	s3 =	sld [smem:$0x3FFE];
	_ =	sdelay $0x1  }
0x8a: {  	s1 =	srdreg.scid  }
0x8b: {  	s0 =	sand.u32 $0x1, s1  }
0x8c: {  	s17 =	sshll.u32 s0, $0xA;
	s2 =	sadd.s32 s3, s2  }
0x8d: {  	s2 =	sadd.s32 s2, s17  }
0x8e: {  	[smem:$0x3FC3] =	sst s2  }
0x8f: {  	_ = 	snop  }
0x90: {  	s2 =	sld [smem:$0x3FC9];
	(tm) =	ssettm $0x1  }
0x91: {  	s18 =	sld [smem:$0x3FFB];
	_ =	sdelay $0x3  }
0x92: {  	_ =	strace s18  }
0x93: {  	s3 =	sld [smem:$0x3FFC];
	_ =	sdelay $0x3  }
0x94: {  	_ =	strace s3  }
0x95: {  	s3 =	sld [smem:$0x3FFD];
	_ =	sdelay $0x3  }
0x96: {  	_ =	strace s3  }
0x97: {  	_ =	strace $0x8FFFFFFF  }
0x98: {  	s19 =	sld [smem:$0x3FDB];
	_ =	sdelay $0x1  }
0x99: {  	s4 =	simm.s32 $_scs_section_size  }
0x9a: {  	s5 =	simm.s32 $_size__tile_overlayer_lowered;
	s6 =	simm.s32 $_tile_overlayer_lowered  }
0x9b: {  	s22 =	simm.s32 $0x1BFF;
	s21 =	sshll.u32 s6, $0x1;
	s3 =	sadd.s32 s4, s19  }
0x9c: {  	s7 =	simm.s32 $0x0;
	s20 =	sshll.u32 s5, $0x1;
	s5 =	sadd.s32 s21, s3  }
0x9d: {  	[timem:s7], [sflag:s22] =	dma.local [hbm:s5], s20  }
0x9e: {  	_ =	swait.ge [sflag:s22], s20  }
0x9f: {  	s4 =	ssub.s32 $0x0, s20;
	[sflag:s22] =	ssyncset.done $0x0  }
0xa0: {  	[sflag:s22] =	ssyncadd.s32 s4;
	_ =	sdelay $0x1  }
0xa1: {  	s23 =	simm.s32 $0x1B8B  }
0xa2: {  	_ =	swait.ge [sflag:s23], $0x1  }
0xa3: {  	[sflag:s23] =	ssyncset.done $0x0  }
0xa4: {  	s25 =	simm.s32 $0x1B8E;
	s24 =	sld [smem:$0x3FFE];
	[sflag:s23] =	ssyncadd.s32 $0xFFFFFFFF  }
0xa5: {  	s26 =	simm.s32 $execute0_lowered;
	[smem:$0x3FD2] =	sst s25  }
0xa6: {  	s5 =	sshll.u32 s26, $0x1;
	_ =	strace $0x80000049;
	[dreg:$0x1] =	wrdreg $0xFFFFFFFF  }
0xa7: {  	s28 =	simm.s32 $_size_execute0_lowered;
	s3 =	sadd.s32 s3, s5;
	[dreg:$0x0] =	wrdreg $0x0  }
0xa8: {  	s5 =	sshll.u32 s28, $0x1;
	[dreg:$0x2] =	wrdreg s3  }
0xa9: {  	[dreg:$0x3] =	wrdreg s5  }
0xaa: {  	[dreg:$0x4] =	wrdreg $0xC0  }
0xab: {  	_ =	task [dreg:s7], $0x5FFFF  }
0xac: {  	[dreg:$0x1] =	wrdreg $0xFFFFFFFF  }
0xad: {  	[dreg:$0x0] =	wrdreg $0x60  }
0xae: {  	[dreg:$0x2] =	wrdreg s24  }
0xaf: {  	[dreg:$0x3] =	wrdreg s2  }
0xb0: {  	[dreg:$0x4] =	wrdreg $0x9  }
0xb1: {  	_ =	task.clear_ibuf [dreg:s7], $0x5FFFF;
	_ =	strace $0x90000049  }
0xb2: {  	s29 =	simm.s32 $0x9;
	_ =	strace $0x8000004B  }
0xb3: {  	_ =	swait.ge [sflag:s29], $0x1  }
0xb4: {  	[sflag:s29] =	ssyncadd.s32 $0xFFFFFFFF  }
0xb5: {  	_ =	strace $0x9000004B  }
0xb6: {  	_ =	sfence  }
0xb7: {  	s30 =	sld [smem:$0x0];
	_ =	sdelay $0x2  }
0xb8: {  	s31 =	sshll.u32 s1, $0xD;
	s1 =	sshrl.u32 s1, $0x2  }
0xb9: {  	s3 =	sand.u32 $0x4000, s31;
	s1 =	sadd.s32 s1, s30  }
0xba: {  	s0 =	sor.u32 s3, s0;
	s1 =	sshll.u32 s1, $0x11  }
0xbb: {  	s0 =	sor.u32 s1, s0  }
0xbc: {  	s0 =	sadd.s32 $0x8F2B, s0  }
0xbd: {  	[sflag:s0] =	ssyncadd.remote.s32 $0x1  }
0xbe: {  	_ =	sfence.sel $0xFFFF  }
0xbf: {  	[dreg:$0x0] =	wrdreg $0xFFFFFFFF;
	(pc) =	sbr.abs _section_cstart, $3  }
0xc0: {  	[dreg:$0x1] =	wrdreg $0xFFFFFFFF  }
0xc1: {  	_ =	task.clear_ibuf [dreg:s7], $0x2FFFF;
	_ =	strace $0x9FFFFFFF  }
0xc2: {  	(tm) =	ssettm $0x7FFFFFFF  }
0xc3: {  	_ =	shalt  }
tec
execute0_lowered:
.L_overlay_start_1:
0x0: {  	(tag) =	ssettag $0x1  }
0x1: {  	s4 =	rddreg [dreg:$0x0]  }
0x2: {  	s5 =	rddreg [dreg:$0x1]  }
0x3: {  	s0 =	rddreg [dreg:$0x2]  }
0x4: {  	s3 =	srdreg.scid;
	s1 =	stileid.u32;
	s2 =	simm.s32 $0x0  }
0x5: {  	s11 =	simm.s32 $0x18280;
	s12 =	simm.s32 $0x3;
	s13 =	simm.s32 $0x0  }
0x6: {  	s6 =	sand.u32 $0x1, s3;
	s31 =	sshll.u32 s1, $0x1;
	[smem:$0x7FF] =	sst s2  }
0x7: {  	s3 =	sadd.s32 $0xF63000, s4;
	s7 =	sor.u32 s6, s31;
	_ =	strace $0x8000004A  }
0x8: {  	s6 =	ssub.s32 $0x2, s6;
	s8 =	sshll.u32 s7, $0xC;
	s9 =	sshll.u32 s7, $0xA  }
0x9: {  	s10 =	sshrl.u32 s6, $0x1;
	s7 =	sshll.u32 s7, $0x6;
	s8 =	sadd.s32 s8, s4  }
0xa: {  	s9 =	sadd.s32 s9, s4;
	s10 =	ssub.s32 s6, s10;
	s4 =	sadd.s32 s5, s7  }
0xb: {  	s5 =	sadd.s32 $0xF43000, s8;
	s6 =	sadd.s32 $0xC00, s9;
	s7 =	smax.u32 s10, $0x1  }
0xc: {  	s8 =	simm.s32 $0x1;
	s9 =	simm.s32 $0x10280;
	s10 =	simm.s32 $0x2  }
.LBB2_1:
0xd: {  	[tilespmem:s2], [sflag:$0x1] =	stream.linear.gather [hbm4b:s4+s2], $0x200, $0x38;
	[tilespmem:$0x1A280] =	vst v63  }
0xe: {  	_ =	swait.ge [sflag:s8], $0x200  }
0xf: {  	[sflag:s8] =	ssyncset.done $0x0  }
0x10: {  	[sflag:s8] =	ssyncadd.s32 $0xFFFFFE00  }
0x11: {  	[tilespmem:s9], [sflag:$0x1] =	stream.linear.gather [hbm4b:s5+s2], $0x8000, $0x38;
	[tilespmem:$0x1A280] =	vst v63  }
0x12: {  	_ =	swait.ge [sflag:s8], $0x8000  }
0x13: {  	[sflag:s8] =	ssyncset.done $0x0  }
0x14: {  	s14 =	simm.s32 $0x0;
	[sflag:s8] =	ssyncadd.s32 $0xFFFF8000  }
0x15: {  	v0 =	vld [tilespmem:s14+$0x0];
	_ =	sdelay $0x4  }
0x16: {  	(v2sf) =	vpush v0, $0x0;
	_ =	sdelay $0xe  }
0x17: {  	s30 =	spop (v2sf)  }
0x18: {  	s14 =	sshll.u32 s30, $0x4  }
0x19: {  	s15 =	sand.u32 $0x1FFFFFF0, s14  }
0x1a: {  	s31 =	simm.s32 $0x1;
	s14 =	simm.s32 $0x280;
	s15 =	sadd.s32 s3, s15  }
0x1b: {  	[tilespmem:s14], [sflag:$0x2] =	stream.linear.gather [hbm4b:s15+s2], $0x80, $0x38;
	[tilespmem:$0x1A280] =	vst v63  }
0x1c: {  	s15 =	simm.s32 $0x8;
	v0 =	vld [tilespmem:s31+$0x0]  }
.LBB2_2:
0x1d: {  	p0 =	sne.s32 s15, $0x7FC;
	_ =	sdelay $0x3  }
0x1e: {  	(v2sf) =	vpush v0, $0x0;
	_ =	sdelay $0xe  }
0x1f: {  	s16 =	spop (v2sf)  }
.Ltmp0:
0x20: {  	s16 =	sshll.u32 s16, $0x4;
	(pc) =	sbr.rel @p0 .LBB2_2-.Ltmp0, $4  }
0x21: {  	s16 =	sand.u32 $0x1FFFFFF0, s16  }
0x22: {  	s17 =	sshra.s32 s15, $0x2;
	s14 =	sadd.s32 $0x80, s14;
	s16 =	sadd.s32 s3, s16  }
0x23: {  	[tilespmem:s14], [sflag:$0x2] =	stream.linear.gather [hbm4b:s16+s2], $0x80, $0x38;
	[tilespmem:$0x1A280] =	vst v63  }
0x24: {  	s15 =	sadd.s32 $0x4, s15;
	v0 =	vld [tilespmem:s17+$0x0]  }
0x25: {  	_ =	sdelay $0x3  }
0x26: {  	(v2sf) =	vpush v0, $0x0;
	_ =	sdelay $0xe  }
0x27: {  	s15 =	spop (v2sf)  }
0x28: {  	s15 =	sshll.u32 s15, $0x4  }
0x29: {  	s15 =	sand.u32 $0x1FFFFFF0, s15  }
0x2a: {  	s14 =	sadd.s32 $0x80, s14;
	s15 =	sadd.s32 s3, s15  }
0x2b: {  	[tilespmem:s14], [sflag:$0x2] =	stream.linear.gather [hbm4b:s15+s2], $0x80, $0x38;
	[tilespmem:$0x1A280] =	vst v63  }
0x2c: {  	_ =	swait.ge [sflag:s10], $0x8000  }
0x2d: {  	[sflag:s10] =	ssyncset.done $0x0  }
0x2e: {  	s15 =	simm.s32 $0x2A0;
	[sflag:s10] =	ssyncadd.s32 $0xFFFF8000  }
0x2f: {  	s16 =	simm.s32 $0x102A0;
	v0 =	vld [tilespmem:s15+$0xFFFFFFE0]  }
0x30: {  	v1 =	vld [tilespmem:s16+$0xFFFFFFE0]  }
0x31: {  	v2 =	vld [tilespmem:s16+$0xFFFFFFF0]  }
0x32: {  	s17 =	simm.s32 $0x40;
	s14 =	simm.s32 $0x0;
	v3 =	vld [tilespmem:s15+$0xFFFFFFF0]  }
.LBB2_4:
0x33: {  	p0 =	sne.s32 s17, $0x7FC0;
	v4 =	vld [tilespmem:s16+$0x0]  }
0x34: {  	v5 =	vld [tilespmem:s15+$0x0]  }
0x35: {  	v6 =	vld [tilespmem:s16+$0x10]  }
0x36: {  	v7 =	vld [tilespmem:s15+$0x10]  }
0x37: {  	v0 =	vmul.f32 v0, v1;
	v1 =	vmul.f32 v3, v2;
	_ =	sdelay $0x1  }
0x38: {  	v0 =	vadd.f32 v1, v0;
	v1 =	vmul.f32 v5, v4;
	_ =	sdelay $0x1  }
0x39: {  	v0 =	vadd.f32 v1, v0;
	v1 =	vmul.f32 v7, v6;
	_ =	sdelay $0x1  }
0x3a: {  	v0 =	vadd.f32 v1, v0  }
0x3b: {  	s18 =	sshra.s32 s14, $0x2;
	s14 =	smov.u32 s17  }
.Ltmp1:
0x3c: {  	s15 =	sadd.s32 $0x80, s15;
	[tilespmem:s18+$0x18280] =	vst v0;
	(pc) =	sbr.rel @p0 .LBB2_4-.Ltmp1, $4  }
0x3d: {  	s16 =	sadd.s32 $0x40, s16;
	v0 =	vld [tilespmem:s15+$0xFFFFFFE0]  }
0x3e: {  	v1 =	vld [tilespmem:s16+$0xFFFFFFE0]  }
0x3f: {  	v2 =	vld [tilespmem:s16+$0xFFFFFFF0]  }
0x40: {  	s17 =	sadd.s32 $0x40, s17;
	v3 =	vld [tilespmem:s15+$0xFFFFFFF0]  }
0x41: {  	v4 =	vld [tilespmem:s16+$0x0]  }
0x42: {  	v5 =	vld [tilespmem:s15+$0x0]  }
0x43: {  	v6 =	vld [tilespmem:s16+$0x10]  }
0x44: {  	v7 =	vld [tilespmem:s15+$0x10]  }
0x45: {  	v0 =	vmul.f32 v0, v1;
	v61 =	vmul.f32 v3, v2;
	_ =	sdelay $0x1  }
0x46: {  	v62 =	vmul.f32 v5, v4;
	v0 =	vadd.f32 v61, v0;
	_ =	sdelay $0x1  }
0x47: {  	v63 =	vmul.f32 v7, v6;
	v0 =	vadd.f32 v62, v0;
	_ =	sdelay $0x1  }
0x48: {  	s13 =	sadd.s32 $0x1, s13;
	v0 =	vadd.f32 v63, v0  }
0x49: {  	s14 =	sshra.s32 s14, $0x2;
	p0 =	sne.s32 s13, s7  }
.Ltmp2:
0x4a: {  	[tilespmem:s14+$0x18280] =	vst v0;
	(pc) =	sbr.rel @p0 .LBB2_1-.Ltmp2, $4  }
0x4b: {  	[hbm4b:s6+s2] =	stream.linear.scatter [tilespmem:s11], [sflag:$0x3], $0x2000, $0x38;
	[tilespmem:$0x1A280] =	vst v63  }
0x4c: {  	_ =	swait.ge [sflag:s12], $0x2000  }
0x4d: {  	[sflag:s12] =	ssyncset.done $0x0  }
0x4e: {  	[sflag:s12] =	ssyncadd.s32 $0xFFFFE000  }
0x4f: {  	_ =	sfence.sel $0x180000  }
0x50: {  	[bflag:$0x0] =	sbarrier.arrive $0xFFFF  }
0x51: {  	p0 =	sne.s32 s1, $0x0;
	_ =	strace $0x9000004A  }
0x52: {  	s0 =	sadd.s32 @!p0 $0x100000, s0;
	[bflag:$0x2] =	sbarrier.arrive $0xFFFF  }
0x53: {  	[sflag:s0] =	ssyncadd.tile.s32 @!p0 $0x1;
	_ =	shalt  }
.Lfunc_end2:
_tile_overlayer_lowered:
.L_overlay_start_2:
0x54: {  	(tag) =	ssettag $0x2  }
0x55: {  	s0 =	rddreg [dreg:$0x0];
	s2 =	stileid.u32  }
0x56: {  	s1 =	rddreg [dreg:$0x1];
	p0 =	sne.s32 s2, $0x0  }
0x57: {  	s3 =	rddreg [dreg:$0x2];
	[bflag:$0x3] =	sbarrier.arrive $0xFFFF;
	s2 =	simm.s32 @!p0 $0x1C03  }
0x58: {  	[timem:s3], [sflag:s2] =	dma.local @!p0 [hbm:s0], s1  }
0x59: {  	s0 =	simm.s32 @!p0 $0x3  }
0x5a: {  	_ =	swait.ge @!p0 [sflag:s0], s1  }
0x5b: {  	s1 =	ssub.s32 @!p0 $0x0, s1;
	[sflag:s0] =	ssyncset.done @!p0 $0x0  }
0x5c: {  	[sflag:s0] =	ssyncadd.s32 @!p0 s1  }
0x5d: {  	[bflag:$0x3] =	sbarrier.arrive $0xFFFF  }
0x5e: {  	_ =	shalt  }

</sc_bundles>
